<compile_context>
chip_gen: v7x
topology: tpu7x:2x2x1
jax: 0.10.2.dev20260603
libtpu: 0.0.44.dev20260713+nightly
codegen_flags: <defaults>
</compile_context>

<pallas_src>
import functools

import jax
import jax.numpy as jnp
from jax.experimental import pallas as pl

DIM = 256
NNODES = 4096
NHEADS = 4
NUNITS = 2
ALPHA = 0.2
DH = DIM // NHEADS
ADJ_THRESH = 0.95
LOG2E = 1.4426950408889634

BI = 256
NBLK = NNODES // BI
HG = 2 * DH


def _proj(x_blk, wcat, acat):
    h = jnp.dot(x_blk, wcat, preferred_element_type=jnp.float32)
    f = jnp.dot(h, acat, preferred_element_type=jnp.float32)
    fe = jnp.exp2(f)
    fea = jnp.exp2(ALPHA * f)
    hb = h.astype(jnp.bfloat16)
    ones = jnp.ones((x_blk.shape[0], 1), jnp.bfloat16)
    zeros = jnp.zeros((x_blk.shape[0], DH - 1), jnp.bfloat16)
    parts = []
    for hd in range(NHEADS):
        parts += [hb[:, hd * DH:(hd + 1) * DH], ones, zeros]
    he = jnp.concatenate(parts, axis=1)
    return he, fe, fea, jnp.transpose(fe), jnp.transpose(fea)


def _proj_kernel(x_ref, w_ref, a_ref, he_ref, fe_ref, fea_ref,
                 fte_ref, ftea_ref):
    he, fe, fea, fte, ftea = _proj(x_ref[...], w_ref[...], a_ref[...])
    he_ref[...] = he
    fe_ref[...] = fe
    fea_ref[...] = fea
    fte_ref[...] = fte
    ftea_ref[...] = ftea


def _attn_body(mask_bf, fe_blk, fea_blk, fte_ref, ftea_ref, he_ref):
    outs = []
    for hd in range(NHEADS):
        a_col = fe_blk[:, hd:hd + 1]
        aa_col = fea_blk[:, hd:hd + 1]
        b_row = fte_ref[NHEADS + hd:NHEADS + hd + 1, :]
        ba_row = ftea_ref[NHEADS + hd:NHEADS + hd + 1, :]
        p = jnp.maximum(a_col * b_row, aa_col * ba_row)
        p = p.astype(jnp.bfloat16) * mask_bf
        o128 = jnp.dot(p, he_ref[:, hd * HG:(hd + 1) * HG],
                       preferred_element_type=jnp.float32)
        s = o128[:, DH:DH + 1]
        outs.append(o128[:, :DH] / s)
    out = jnp.concatenate(outs, axis=1)
    return jnp.where(out > 0.0, out, jnp.exp(out) - 1.0)


def _unit0_kernel(adj_ref, fe_ref, fea_ref, fte_ref, ftea_ref, he_ref,
                  w1_ref, a1_ref,
                  mask_ref, he1_ref, fe1_ref, fea1_ref, fte1_ref, ftea1_ref):
    i = pl.program_id(0)
    rows = i * BI + jax.lax.broadcasted_iota(jnp.int32, (BI, NNODES), 0)
    cols = jax.lax.broadcasted_iota(jnp.int32, (BI, NNODES), 1)
    cond = (adj_ref[...] > ADJ_THRESH) | (rows == cols)
    mask = jnp.where(cond, 1.0, 0.0).astype(jnp.bfloat16)
    mask_ref[...] = mask
    x1 = _attn_body(mask, fe_ref[...], fea_ref[...], fte_ref, ftea_ref,
                    he_ref)
    he1, fe1, fea1, fte1, ftea1 = _proj(x1, w1_ref[...], a1_ref[...])
    he1_ref[...] = he1
    fe1_ref[...] = fe1
    fea1_ref[...] = fea1
    fte1_ref[...] = fte1
    ftea1_ref[...] = ftea1


def _unit1_kernel(mask_ref, fe_ref, fea_ref, fte_ref, ftea_ref, he_ref,
                  out_ref):
    out_ref[...] = _attn_body(mask_ref[...], fe_ref[...], fea_ref[...],
                              fte_ref, ftea_ref, he_ref)


def _acat(a_src_u, a_dst_u):
    eye = jnp.eye(NHEADS, dtype=jnp.float32)
    asrc = (a_src_u[:, :, None] * eye[:, None, :]).reshape(DIM, NHEADS)
    adst = (a_dst_u[:, :, None] * eye[:, None, :]).reshape(DIM, NHEADS)
    return jnp.concatenate([asrc, adst], axis=1) * LOG2E


_ROWBLK = pl.BlockSpec((BI, NNODES), lambda i: (i, 0))
_XBLK = pl.BlockSpec((BI, DIM), lambda i: (i, 0))
_HEBLK = pl.BlockSpec((BI, NHEADS * HG), lambda i: (i, 0))
_FBLK = pl.BlockSpec((BI, 2 * NHEADS), lambda i: (i, 0))
_FTBLK = pl.BlockSpec((2 * NHEADS, BI), lambda i: (0, i))
_HE_FULL = pl.BlockSpec((NNODES, NHEADS * HG), lambda i: (0, 0))
_FT_FULL = pl.BlockSpec((2 * NHEADS, NNODES), lambda i: (0, 0))
_W_FULL = pl.BlockSpec((DIM, DIM), lambda i: (0, 0))
_A_FULL = pl.BlockSpec((DIM, 2 * NHEADS), lambda i: (0, 0))

_F_SHAPES = lambda f32: [
    jax.ShapeDtypeStruct((NNODES, 2 * NHEADS), f32),
    jax.ShapeDtypeStruct((NNODES, 2 * NHEADS), f32),
    jax.ShapeDtypeStruct((2 * NHEADS, NNODES), f32),
    jax.ShapeDtypeStruct((2 * NHEADS, NNODES), f32),
]


@functools.partial(jax.jit, static_argnames=())
def kernel(nodes, adj, emb, Ws, a_src, a_dst):
    x = jnp.take(emb, nodes, axis=0)
    wcat = [jnp.transpose(Ws[u], (1, 0, 2)).reshape(DIM, DIM)
            for u in range(NUNITS)]
    acat = [_acat(a_src[u], a_dst[u]) for u in range(NUNITS)]

    f32, bf16 = jnp.float32, jnp.bfloat16
    he0, fe0, fea0, fte0, ftea0 = pl.pallas_call(
        _proj_kernel,
        grid=(NBLK,),
        in_specs=[_XBLK, _W_FULL, _A_FULL],
        out_specs=[_HEBLK, _FBLK, _FBLK, _FTBLK, _FTBLK],
        out_shape=[jax.ShapeDtypeStruct((NNODES, NHEADS * HG), bf16)]
        + _F_SHAPES(f32),
    )(x, wcat[0], acat[0])

    mask, he1, fe1, fea1, fte1, ftea1 = pl.pallas_call(
        _unit0_kernel,
        grid=(NBLK,),
        in_specs=[_ROWBLK, _FBLK, _FBLK, _FT_FULL, _FT_FULL, _HE_FULL,
                  _W_FULL, _A_FULL],
        out_specs=[_ROWBLK, _HEBLK, _FBLK, _FBLK, _FTBLK, _FTBLK],
        out_shape=[jax.ShapeDtypeStruct((NNODES, NNODES), bf16),
                   jax.ShapeDtypeStruct((NNODES, NHEADS * HG), bf16)]
        + _F_SHAPES(f32),
    )(adj, fe0, fea0, fte0, ftea0, he0, wcat[1], acat[1])

    x2 = pl.pallas_call(
        _unit1_kernel,
        grid=(NBLK,),
        in_specs=[_ROWBLK, _FBLK, _FBLK, _FT_FULL, _FT_FULL, _HE_FULL],
        out_specs=_XBLK,
        out_shape=jax.ShapeDtypeStruct((NNODES, DIM), f32),
    )(mask, fe1, fea1, fte1, ftea1, he1)
    return x2

# --- scband reference (transcript-rebuilt; emitter-appended) ---
"""Pipeline reference for scband-gat-85718957294079 (READ-ONLY COPY).

The authoritative reference and input builder live on the scoring server;
editing this copy changes nothing except your own understanding.
"""

import jax, jax.numpy as jnp
import numpy as np

DIM = 256
NNODES = 4096
NHEADS = 4
NUNITS = 2
ALPHA = 0.2
DH = DIM // NHEADS
ADJ_THRESH = 0.95


def setup_inputs(seed: int = 0) -> dict:
    key = jax.random.key(seed)
    k0, k1, k2, k3, k4 = jax.random.split(key, 5)
    nodes = jnp.arange(NNODES)
    adj = jax.random.uniform(k0, (NNODES, NNODES), dtype=jnp.float32)
    emb = jax.random.normal(k1, (NNODES, DIM), dtype=jnp.float32) * 0.02
    Ws = jax.random.normal(k2, (NUNITS, NHEADS, DIM, DH), dtype=jnp.float32) * (1.0 / np.sqrt(DIM))
    a_src = jax.random.normal(k3, (NUNITS, NHEADS, DH), dtype=jnp.float32) * 0.1
    a_dst = jax.random.normal(k4, (NUNITS, NHEADS, DH), dtype=jnp.float32) * 0.1
    return {"nodes": nodes, "adj": adj, "emb": emb, "Ws": Ws, "a_src": a_src, "a_dst": a_dst}


def reference(nodes, adj, emb, Ws, a_src, a_dst):
    # nn.Embedding lookup (gather)
    x = jnp.take(emb, nodes, axis=0)  # [N, DIM]
    # dense adjacency mask (with self-loops) from the adj tensor
    mask = adj > ADJ_THRESH
    mask = mask | jnp.eye(NNODES, dtype=bool)
    for u in range(NUNITS):
        # multi-head GAT encoder unit (dense formulation, concat heads + ELU)
        h = jnp.einsum('nd,hdf->hnf', x, Ws[u])          # [H, N, DH]
        fs = jnp.einsum('hnf,hf->hn', h, a_src[u])       # [H, N]
        fd = jnp.einsum('hnf,hf->hn', h, a_dst[u])       # [H, N]
        e = jax.nn.leaky_relu(fs[:, :, None] + fd[:, None, :], negative_slope=ALPHA)  # [H, N, N]
        e = jnp.where(mask[None, :, :], e, -1e9)
        attn = jax.nn.softmax(e, axis=-1)                # [H, N, N]
        out = jnp.einsum('hij,hjf->hif', attn, h)        # [H, N, DH]
        x = jax.nn.elu(jnp.transpose(out, (1, 0, 2)).reshape(NNODES, DIM))
    return x

if __name__ == "__main__":
    import jax
    _d = setup_inputs()
    print(jax.jit(kernel)(*tuple(_d.values())))

</pallas_src>

<mosaic_0001>
module attributes {stable_mosaic.version = 14 : i64} {
  func.func @_proj_kernel(%arg0: i32, %arg1: memref<256x256xf32, #tpu.memory_space<vmem>>, %arg2: memref<256x256xf32, #tpu.memory_space<vmem>>, %arg3: memref<256x8xf32, #tpu.memory_space<vmem>>, %arg4: memref<256x512xbf16, #tpu.memory_space<vmem>>, %arg5: memref<256x8xf32, #tpu.memory_space<vmem>>, %arg6: memref<256x8xf32, #tpu.memory_space<vmem>>, %arg7: memref<8x256xf32, #tpu.memory_space<vmem>>, %arg8: memref<8x256xf32, #tpu.memory_space<vmem>>) attributes {dimension_semantics = [#tpu.dimension_semantics<arbitrary>], iteration_bounds = array<i64: 16>, scalar_prefetch = 0 : i64, scratch_operands = 0 : i64, tpu.core_type = #tpu.core_type<tc>, window_params = [{transform_indices = @transform_0, window_bounds = array<i64: 256, 256>}, {pipeline_mode = #tpu.pipeline_mode<synchronous>, transform_indices = @transform_1, window_bounds = array<i64: 256, 256>}, {pipeline_mode = #tpu.pipeline_mode<synchronous>, transform_indices = @transform_2, window_bounds = array<i64: 256, 8>}, {transform_indices = @transform_3, window_bounds = array<i64: 256, 512>}, {transform_indices = @transform_4, window_bounds = array<i64: 256, 8>}, {transform_indices = @transform_5, window_bounds = array<i64: 256, 8>}, {transform_indices = @transform_6, window_bounds = array<i64: 8, 256>}, {transform_indices = @transform_7, window_bounds = array<i64: 8, 256>}]} {
    %get3A = arith.constant 0 : index
    %get3A_0 = arith.constant 0 : index
    %get3A_1 = vector.load %arg1[%get3A, %get3A_0] : memref<256x256xf32, #tpu.memory_space<vmem>>, vector<256x256xf32>
    %get3A_2 = arith.constant 0 : index
    %get3A_3 = arith.constant 0 : index
    %get3A_4 = vector.load %arg2[%get3A_2, %get3A_3] : memref<256x256xf32, #tpu.memory_space<vmem>>, vector<256x256xf32>
    %get3A_5 = arith.constant 0 : index
    %get3A_6 = arith.constant 0 : index
    %get3A_7 = vector.load %arg3[%get3A_5, %get3A_6] : memref<256x8xf32, #tpu.memory_space<vmem>>, vector<256x8xf32>
    %dot_general3A = arith.constant dense<0.000000e+00> : vector<256x256xf32>
    %dot_general3A_8 = tpu.matmul %get3A_1, %get3A_4, %dot_general3A {dimension_numbers = #tpu.dot_dimension_numbers<[1], [0], [0], [1], [0, 0, 1, 1], [], []>, transpose_lhs_hint = false} : vector<256x256xf32>, vector<256x256xf32>, vector<256x256xf32> -> vector<256x256xf32>
    %dot_general3A_9 = arith.constant dense<0.000000e+00> : vector<256x8xf32>
    %dot_general3A_10 = tpu.matmul %dot_general3A_8, %get3A_7, %dot_general3A_9 {dimension_numbers = #tpu.dot_dimension_numbers<[1], [0], [0], [1], [0, 0, 1, 1], [], []>, transpose_lhs_hint = false} : vector<256x256xf32>, vector<256x8xf32>, vector<256x8xf32> -> vector<256x8xf32>
    %exp23A = math.exp2 %dot_general3A_10 : vector<256x8xf32>
    %mul3A = arith.constant 2.000000e-01 : f32
    %mul3A_11 = vector.broadcast %mul3A : f32 to vector<256x8xf32>
    %mul3A_12 = arith.mulf %mul3A_11, %dot_general3A_10 : vector<256x8xf32>
    %exp23A_13 = math.exp2 %mul3A_12 : vector<256x8xf32>
    %convert_element_type3A = arith.truncf %dot_general3A_8 : vector<256x256xf32> to vector<256x256xbf16>
    %broadcast_in_dim3A = arith.constant 1.000000e+00 : bf16
    %broadcast_in_dim3A_14 = vector.broadcast %broadcast_in_dim3A : bf16 to vector<256x1xbf16>
    %broadcast_in_dim3A_15 = arith.constant 0.000000e+00 : bf16
    %broadcast_in_dim3A_16 = vector.broadcast %broadcast_in_dim3A_15 : bf16 to vector<256x63xbf16>
    %slice3A = vector.extract_strided_slice %convert_element_type3A {offsets = [0, 0], sizes = [256, 64], strides = [1, 1]} : vector<256x256xbf16> to vector<256x64xbf16>
    %slice3A_17 = vector.extract_strided_slice %convert_element_type3A {offsets = [0, 64], sizes = [256, 64], strides = [1, 1]} : vector<256x256xbf16> to vector<256x64xbf16>
    %slice3A_18 = vector.extract_strided_slice %convert_element_type3A {offsets = [0, 128], sizes = [256, 64], strides = [1, 1]} : vector<256x256xbf16> to vector<256x64xbf16>
    %slice3A_19 = vector.extract_strided_slice %convert_element_type3A {offsets = [0, 192], sizes = [256, 64], strides = [1, 1]} : vector<256x256xbf16> to vector<256x64xbf16>
    %concatenate3A = tpu.concatenate %slice3A, %broadcast_in_dim3A_14, %broadcast_in_dim3A_16, %slice3A_17, %broadcast_in_dim3A_14, %broadcast_in_dim3A_16, %slice3A_18, %broadcast_in_dim3A_14, %broadcast_in_dim3A_16, %slice3A_19, %broadcast_in_dim3A_14, %broadcast_in_dim3A_16 in 1 : vector<256x64xbf16>, vector<256x1xbf16>, vector<256x63xbf16>, vector<256x64xbf16>, vector<256x1xbf16>, vector<256x63xbf16>, vector<256x64xbf16>, vector<256x1xbf16>, vector<256x63xbf16>, vector<256x64xbf16>, vector<256x1xbf16>, vector<256x63xbf16> -> vector<256x512xbf16>
    %transpose3A = tpu.transpose %exp23A, [1, 0] : vector<256x8xf32> -> vector<8x256xf32>
    %transpose3A_20 = tpu.transpose %exp23A_13, [1, 0] : vector<256x8xf32> -> vector<8x256xf32>
    %swap3A = arith.constant 0 : index
    %swap3A_21 = arith.constant 0 : index
    %swap3A_22 = vector.load %arg4[%swap3A, %swap3A_21] : memref<256x512xbf16, #tpu.memory_space<vmem>>, vector<256x512xbf16>
    tpu.vector_store %arg4[%swap3A, %swap3A_21], %concatenate3A {strides = array<i32>} : memref<256x512xbf16, #tpu.memory_space<vmem>>, vector<256x512xbf16>,
    %swap3A_23 = arith.constant 0 : index
    %swap3A_24 = arith.constant 0 : index
    %swap3A_25 = vector.load %arg5[%swap3A_23, %swap3A_24] : memref<256x8xf32, #tpu.memory_space<vmem>>, vector<256x8xf32>
    tpu.vector_store %arg5[%swap3A_23, %swap3A_24], %exp23A {strides = array<i32>} : memref<256x8xf32, #tpu.memory_space<vmem>>, vector<256x8xf32>,
    %swap3A_26 = arith.constant 0 : index
    %swap3A_27 = arith.constant 0 : index
    %swap3A_28 = vector.load %arg6[%swap3A_26, %swap3A_27] : memref<256x8xf32, #tpu.memory_space<vmem>>, vector<256x8xf32>
    tpu.vector_store %arg6[%swap3A_26, %swap3A_27], %exp23A_13 {strides = array<i32>} : memref<256x8xf32, #tpu.memory_space<vmem>>, vector<256x8xf32>,
    %swap3A_29 = arith.constant 0 : index
    %swap3A_30 = arith.constant 0 : index
    %swap3A_31 = vector.load %arg7[%swap3A_29, %swap3A_30] : memref<8x256xf32, #tpu.memory_space<vmem>>, vector<8x256xf32>
    tpu.vector_store %arg7[%swap3A_29, %swap3A_30], %transpose3A {strides = array<i32>} : memref<8x256xf32, #tpu.memory_space<vmem>>, vector<8x256xf32>,
    %swap3A_32 = arith.constant 0 : index
    %swap3A_33 = arith.constant 0 : index
    %swap3A_34 = vector.load %arg8[%swap3A_32, %swap3A_33] : memref<8x256xf32, #tpu.memory_space<vmem>>, vector<8x256xf32>
    tpu.vector_store %arg8[%swap3A_32, %swap3A_33], %transpose3A_20 {strides = array<i32>} : memref<8x256xf32, #tpu.memory_space<vmem>>, vector<8x256xf32>,
    return
  }
  func.func @transform_0(%arg0: i32) -> (i32, i32) {
    %c0_i32 = arith.constant 0 : i32
    %c0_i32_0 = arith.constant 0 : i32
    return %arg0, %c0_i32 : i32, i32
  }
  func.func @transform_1(%arg0: i32) -> (i32, i32) {
    %c0_i32 = arith.constant 0 : i32
    %c0_i32_0 = arith.constant 0 : i32
    %c0_i32_1 = arith.constant 0 : i32
    return %c0_i32, %c0_i32_0 : i32, i32
  }
  func.func @transform_2(%arg0: i32) -> (i32, i32) {
    %c0_i32 = arith.constant 0 : i32
    %c0_i32_0 = arith.constant 0 : i32
    %c0_i32_1 = arith.constant 0 : i32
    return %c0_i32, %c0_i32_0 : i32, i32
  }
  func.func @transform_3(%arg0: i32) -> (i32, i32) {
    %c0_i32 = arith.constant 0 : i32
    %c0_i32_0 = arith.constant 0 : i32
    return %arg0, %c0_i32 : i32, i32
  }
  func.func @transform_4(%arg0: i32) -> (i32, i32) {
    %c0_i32 = arith.constant 0 : i32
    %c0_i32_0 = arith.constant 0 : i32
    return %arg0, %c0_i32 : i32, i32
  }
  func.func @transform_5(%arg0: i32) -> (i32, i32) {
    %c0_i32 = arith.constant 0 : i32
    %c0_i32_0 = arith.constant 0 : i32
    return %arg0, %c0_i32 : i32, i32
  }
  func.func @transform_6(%arg0: i32) -> (i32, i32) {
    %c0_i32 = arith.constant 0 : i32
    %c0_i32_0 = arith.constant 0 : i32
    return %c0_i32, %arg0 : i32, i32
  }
  func.func @transform_7(%arg0: i32) -> (i32, i32) {
    %c0_i32 = arith.constant 0 : i32
    %c0_i32_0 = arith.constant 0 : i32
    return %c0_i32, %arg0 : i32, i32
  }
}

module attributes {stable_mosaic.version = 14 : i64} {
  func.func @_unit0_kernel(%arg0: i32, %arg1: memref<256x4096xf32, #tpu.memory_space<vmem>>, %arg2: memref<256x8xf32, #tpu.memory_space<vmem>>, %arg3: memref<256x8xf32, #tpu.memory_space<vmem>>, %arg4: memref<8x4096xf32, #tpu.memory_space<vmem>>, %arg5: memref<8x4096xf32, #tpu.memory_space<vmem>>, %arg6: memref<4096x512xbf16, #tpu.memory_space<vmem>>, %arg7: memref<256x256xf32, #tpu.memory_space<vmem>>, %arg8: memref<256x8xf32, #tpu.memory_space<vmem>>, %arg9: memref<256x4096xbf16, #tpu.memory_space<vmem>>, %arg10: memref<256x512xbf16, #tpu.memory_space<vmem>>, %arg11: memref<256x8xf32, #tpu.memory_space<vmem>>, %arg12: memref<256x8xf32, #tpu.memory_space<vmem>>, %arg13: memref<8x256xf32, #tpu.memory_space<vmem>>, %arg14: memref<8x256xf32, #tpu.memory_space<vmem>>) attributes {dimension_semantics = [#tpu.dimension_semantics<arbitrary>], iteration_bounds = array<i64: 16>, scalar_prefetch = 0 : i64, scratch_operands = 0 : i64, tpu.core_type = #tpu.core_type<tc>, window_params = [{transform_indices = @transform_0, window_bounds = array<i64: 256, 4096>}, {transform_indices = @transform_1, window_bounds = array<i64: 256, 8>}, {transform_indices = @transform_2, window_bounds = array<i64: 256, 8>}, {pipeline_mode = #tpu.pipeline_mode<synchronous>, transform_indices = @transform_3, window_bounds = array<i64: 8, 4096>}, {pipeline_mode = #tpu.pipeline_mode<synchronous>, transform_indices = @transform_4, window_bounds = array<i64: 8, 4096>}, {pipeline_mode = #tpu.pipeline_mode<synchronous>, transform_indices = @transform_5, window_bounds = array<i64: 4096, 512>}, {pipeline_mode = #tpu.pipeline_mode<synchronous>, transform_indices = @transform_6, window_bounds = array<i64: 256, 256>}, {pipeline_mode = #tpu.pipeline_mode<synchronous>, transform_indices = @transform_7, window_bounds = array<i64: 256, 8>}, {transform_indices = @transform_8, window_bounds = array<i64: 256, 4096>}, {transform_indices = @transform_9, window_bounds = array<i64: 256, 512>}, {transform_indices = @transform_10, window_bounds = array<i64: 256, 8>}, {transform_indices = @transform_11, window_bounds = array<i64: 256, 8>}, {transform_indices = @transform_12, window_bounds = array<i64: 8, 256>}, {transform_indices = @transform_13, window_bounds = array<i64: 8, 256>}]} {
    %mul3A = arith.constant 256 : i32
    %mul3A_0 = arith.muli %arg0, %mul3A : i32
    %iota3A = tpu.iota {dimensions = array<i32: 0>} : vector<256x4096xi32>
    %add3A = vector.broadcast %mul3A_0 : i32 to vector<256x4096xi32>
    %add3A_1 = arith.addi %add3A, %iota3A : vector<256x4096xi32>
    %iota3A_2 = tpu.iota {dimensions = array<i32: 1>} : vector<256x4096xi32>
    %get3A = arith.constant 0 : index
    %get3A_3 = arith.constant 0 : index
    %get3A_4 = vector.load %arg1[%get3A, %get3A_3] : memref<256x4096xf32, #tpu.memory_space<vmem>>, vector<256x4096xf32>
    %gt3A = arith.constant 0.949999988 : f32
    %gt3A_5 = vector.broadcast %gt3A : f32 to vector<256x4096xf32>
    %gt3A_6 = arith.cmpf ogt, %get3A_4, %gt3A_5 : vector<256x4096xf32>
    %eq3A = arith.cmpi eq, %add3A_1, %iota3A_2 : vector<256x4096xi32>
    %or3A = arith.ori %gt3A_6, %eq3A : vector<256x4096xi1>
    %jit3A = arith.constant 1.000000e+00 : f32
    %jit3A_7 = arith.constant 0.000000e+00 : f32
    %broadcast_in_dim3A = vector.broadcast %jit3A : f32 to vector<256x4096xf32>
    %broadcast_in_dim3A_8 = vector.broadcast %jit3A_7 : f32 to vector<256x4096xf32>
    %select_n3A = arith.select %or3A, %broadcast_in_dim3A, %broadcast_in_dim3A_8 : vector<256x4096xi1>, vector<256x4096xf32>
    %convert_element_type3A = arith.truncf %select_n3A : vector<256x4096xf32> to vector<256x4096xbf16>
    %swap3A = arith.constant 0 : index
    %swap3A_9 = arith.constant 0 : index
    %swap3A_10 = vector.load %arg9[%swap3A, %swap3A_9] : memref<256x4096xbf16, #tpu.memory_space<vmem>>, vector<256x4096xbf16>
    tpu.vector_store %arg9[%swap3A, %swap3A_9], %convert_element_type3A {strides = array<i32>} : memref<256x4096xbf16, #tpu.memory_space<vmem>>, vector<256x4096xbf16>,
    %get3A_11 = arith.constant 0 : index
    %get3A_12 = arith.constant 0 : index
    %get3A_13 = vector.load %arg2[%get3A_11, %get3A_12] : memref<256x8xf32, #tpu.memory_space<vmem>>, vector<256x8xf32>
    %get3A_14 = arith.constant 0 : index
    %get3A_15 = arith.constant 0 : index
    %get3A_16 = vector.load %arg3[%get3A_14, %get3A_15] : memref<256x8xf32, #tpu.memory_space<vmem>>, vector<256x8xf32>
    %slice3A = vector.extract_strided_slice %get3A_13 {offsets = [0, 0], sizes = [256, 1], strides = [1, 1]} : vector<256x8xf32> to vector<256x1xf32>
    %slice3A_17 = vector.extract_strided_slice %get3A_16 {offsets = [0, 0], sizes = [256, 1], strides = [1, 1]} : vector<256x8xf32> to vector<256x1xf32>
    %get3A_18 = arith.constant 4 : index
    %get3A_19 = arith.constant 0 : index
    %get3A_20 = vector.load %arg4[%get3A_18, %get3A_19] : memref<8x4096xf32, #tpu.memory_space<vmem>>, vector<1x4096xf32>
    %get3A_21 = arith.constant 4 : index
    %get3A_22 = arith.constant 0 : index
    %get3A_23 = vector.load %arg5[%get3A_21, %get3A_22] : memref<8x4096xf32, #tpu.memory_space<vmem>>, vector<1x4096xf32>
    %mul3A_24 = vector.broadcast %slice3A : vector<256x1xf32> to vector<256x4096xf32>
    %mul3A_25 = vector.broadcast %get3A_20 : vector<1x4096xf32> to vector<256x4096xf32>
    %mul3A_26 = arith.mulf %mul3A_24, %mul3A_25 : vector<256x4096xf32>
    %mul3A_27 = vector.broadcast %slice3A_17 : vector<256x1xf32> to vector<256x4096xf32>
    %mul3A_28 = vector.broadcast %get3A_23 : vector<1x4096xf32> to vector<256x4096xf32>
    %mul3A_29 = arith.mulf %mul3A_27, %mul3A_28 : vector<256x4096xf32>
    %max3A = arith.maximumf %mul3A_26, %mul3A_29 : vector<256x4096xf32>
    %convert_element_type3A_30 = arith.truncf %max3A : vector<256x4096xf32> to vector<256x4096xbf16>
    %mul3A_31 = arith.mulf %convert_element_type3A_30, %convert_element_type3A : vector<256x4096xbf16>
    %get3A_32 = arith.constant 0 : index
    %get3A_33 = arith.constant 0 : index
    %get3A_34 = vector.load %arg6[%get3A_32, %get3A_33] : memref<4096x512xbf16, #tpu.memory_space<vmem>>, vector<4096x128xbf16>
    %dot_general3A = arith.constant dense<0.000000e+00> : vector<256x128xf32>
    %dot_general3A_35 = tpu.matmul %mul3A_31, %get3A_34, %dot_general3A {dimension_numbers = #tpu.dot_dimension_numbers<[1], [0], [0], [1], [0, 0, 1, 1], [], []>, transpose_lhs_hint = false} : vector<256x4096xbf16>, vector<4096x128xbf16>, vector<256x128xf32> -> vector<256x128xf32>
    %slice3A_36 = vector.extract_strided_slice %dot_general3A_35 {offsets = [0, 64], sizes = [256, 1], strides = [1, 1]} : vector<256x128xf32> to vector<256x1xf32>
    %slice3A_37 = vector.extract_strided_slice %dot_general3A_35 {offsets = [0, 0], sizes = [256, 64], strides = [1, 1]} : vector<256x128xf32> to vector<256x64xf32>
    %div3A = vector.broadcast %slice3A_36 : vector<256x1xf32> to vector<256x64xf32>
    %div3A_38 = arith.divf %slice3A_37, %div3A : vector<256x64xf32>
    %slice3A_39 = vector.extract_strided_slice %get3A_13 {offsets = [0, 1], sizes = [256, 1], strides = [1, 1]} : vector<256x8xf32> to vector<256x1xf32>
    %slice3A_40 = vector.extract_strided_slice %get3A_16 {offsets = [0, 1], sizes = [256, 1], strides = [1, 1]} : vector<256x8xf32> to vector<256x1xf32>
    %get3A_41 = arith.constant 5 : index
    %get3A_42 = arith.constant 0 : index
    %get3A_43 = vector.load %arg4[%get3A_41, %get3A_42] : memref<8x4096xf32, #tpu.memory_space<vmem>>, vector<1x4096xf32>
    %get3A_44 = arith.constant 5 : index
    %get3A_45 = arith.constant 0 : index
    %get3A_46 = vector.load %arg5[%get3A_44, %get3A_45] : memref<8x4096xf32, #tpu.memory_space<vmem>>, vector<1x4096xf32>
    %mul3A_47 = vector.broadcast %slice3A_39 : vector<256x1xf32> to vector<256x4096xf32>
    %mul3A_48 = vector.broadcast %get3A_43 : vector<1x4096xf32> to vector<256x4096xf32>
    %mul3A_49 = arith.mulf %mul3A_47, %mul3A_48 : vector<256x4096xf32>
    %mul3A_50 = vector.broadcast %slice3A_40 : vector<256x1xf32> to vector<256x4096xf32>
    %mul3A_51 = vector.broadcast %get3A_46 : vector<1x4096xf32> to vector<256x4096xf32>
    %mul3A_52 = arith.mulf %mul3A_50, %mul3A_51 : vector<256x4096xf32>
    %max3A_53 = arith.maximumf %mul3A_49, %mul3A_52 : vector<256x4096xf32>
    %convert_element_type3A_54 = arith.truncf %max3A_53 : vector<256x4096xf32> to vector<256x4096xbf16>
    %mul3A_55 = arith.mulf %convert_element_type3A_54, %convert_element_type3A : vector<256x4096xbf16>
    %get3A_56 = arith.constant 0 : index
    %get3A_57 = arith.constant 128 : index
    %get3A_58 = vector.load %arg6[%get3A_56, %get3A_57] : memref<4096x512xbf16, #tpu.memory_space<vmem>>, vector<4096x128xbf16>
    %dot_general3A_59 = arith.constant dense<0.000000e+00> : vector<256x128xf32>
    %dot_general3A_60 = tpu.matmul %mul3A_55, %get3A_58, %dot_general3A_59 {dimension_numbers = #tpu.dot_dimension_numbers<[1], [0], [0], [1], [0, 0, 1, 1], [], []>, transpose_lhs_hint = false} : vector<256x4096xbf16>, vector<4096x128xbf16>, vector<256x128xf32> -> vector<256x128xf32>
    %slice3A_61 = vector.extract_strided_slice %dot_general3A_60 {offsets = [0, 64], sizes = [256, 1], strides = [1, 1]} : vector<256x128xf32> to vector<256x1xf32>
    %slice3A_62 = vector.extract_strided_slice %dot_general3A_60 {offsets = [0, 0], sizes = [256, 64], strides = [1, 1]} : vector<256x128xf32> to vector<256x64xf32>
    %div3A_63 = vector.broadcast %slice3A_61 : vector<256x1xf32> to vector<256x64xf32>
    %div3A_64 = arith.divf %slice3A_62, %div3A_63 : vector<256x64xf32>
    %slice3A_65 = vector.extract_strided_slice %get3A_13 {offsets = [0, 2], sizes = [256, 1], strides = [1, 1]} : vector<256x8xf32> to vector<256x1xf32>
    %slice3A_66 = vector.extract_strided_slice %get3A_16 {offsets = [0, 2], sizes = [256, 1], strides = [1, 1]} : vector<256x8xf32> to vector<256x1xf32>
    %get3A_67 = arith.constant 6 : index
    %get3A_68 = arith.constant 0 : index
    %get3A_69 = vector.load %arg4[%get3A_67, %get3A_68] : memref<8x4096xf32, #tpu.memory_space<vmem>>, vector<1x4096xf32>
    %get3A_70 = arith.constant 6 : index
    %get3A_71 = arith.constant 0 : index
    %get3A_72 = vector.load %arg5[%get3A_70, %get3A_71] : memref<8x4096xf32, #tpu.memory_space<vmem>>, vector<1x4096xf32>
    %mul3A_73 = vector.broadcast %slice3A_65 : vector<256x1xf32> to vector<256x4096xf32>
    %mul3A_74 = vector.broadcast %get3A_69 : vector<1x4096xf32> to vector<256x4096xf32>
    %mul3A_75 = arith.mulf %mul3A_73, %mul3A_74 : vector<256x4096xf32>
    %mul3A_76 = vector.broadcast %slice3A_66 : vector<256x1xf32> to vector<256x4096xf32>
    %mul3A_77 = vector.broadcast %get3A_72 : vector<1x4096xf32> to vector<256x4096xf32>
    %mul3A_78 = arith.mulf %mul3A_76, %mul3A_77 : vector<256x4096xf32>
    %max3A_79 = arith.maximumf %mul3A_75, %mul3A_78 : vector<256x4096xf32>
    %convert_element_type3A_80 = arith.truncf %max3A_79 : vector<256x4096xf32> to vector<256x4096xbf16>
    %mul3A_81 = arith.mulf %convert_element_type3A_80, %convert_element_type3A : vector<256x4096xbf16>
    %get3A_82 = arith.constant 0 : index
    %get3A_83 = arith.constant 256 : index
    %get3A_84 = vector.load %arg6[%get3A_82, %get3A_83] : memref<4096x512xbf16, #tpu.memory_space<vmem>>, vector<4096x128xbf16>
    %dot_general3A_85 = arith.constant dense<0.000000e+00> : vector<256x128xf32>
    %dot_general3A_86 = tpu.matmul %mul3A_81, %get3A_84, %dot_general3A_85 {dimension_numbers = #tpu.dot_dimension_numbers<[1], [0], [0], [1], [0, 0, 1, 1], [], []>, transpose_lhs_hint = false} : vector<256x4096xbf16>, vector<4096x128xbf16>, vector<256x128xf32> -> vector<256x128xf32>
    %slice3A_87 = vector.extract_strided_slice %dot_general3A_86 {offsets = [0, 64], sizes = [256, 1], strides = [1, 1]} : vector<256x128xf32> to vector<256x1xf32>
    %slice3A_88 = vector.extract_strided_slice %dot_general3A_86 {offsets = [0, 0], sizes = [256, 64], strides = [1, 1]} : vector<256x128xf32> to vector<256x64xf32>
    %div3A_89 = vector.broadcast %slice3A_87 : vector<256x1xf32> to vector<256x64xf32>
    %div3A_90 = arith.divf %slice3A_88, %div3A_89 : vector<256x64xf32>
    %slice3A_91 = vector.extract_strided_slice %get3A_13 {offsets = [0, 3], sizes = [256, 1], strides = [1, 1]} : vector<256x8xf32> to vector<256x1xf32>
    %slice3A_92 = vector.extract_strided_slice %get3A_16 {offsets = [0, 3], sizes = [256, 1], strides = [1, 1]} : vector<256x8xf32> to vector<256x1xf32>
    %get3A_93 = arith.constant 7 : index
    %get3A_94 = arith.constant 0 : index
    %get3A_95 = vector.load %arg4[%get3A_93, %get3A_94] : memref<8x4096xf32, #tpu.memory_space<vmem>>, vector<1x4096xf32>
    %get3A_96 = arith.constant 7 : index
    %get3A_97 = arith.constant 0 : index
    %get3A_98 = vector.load %arg5[%get3A_96, %get3A_97] : memref<8x4096xf32, #tpu.memory_space<vmem>>, vector<1x4096xf32>
    %mul3A_99 = vector.broadcast %slice3A_91 : vector<256x1xf32> to vector<256x4096xf32>
    %mul3A_100 = vector.broadcast %get3A_95 : vector<1x4096xf32> to vector<256x4096xf32>
    %mul3A_101 = arith.mulf %mul3A_99, %mul3A_100 : vector<256x4096xf32>
    %mul3A_102 = vector.broadcast %slice3A_92 : vector<256x1xf32> to vector<256x4096xf32>
    %mul3A_103 = vector.broadcast %get3A_98 : vector<1x4096xf32> to vector<256x4096xf32>
    %mul3A_104 = arith.mulf %mul3A_102, %mul3A_103 : vector<256x4096xf32>
    %max3A_105 = arith.maximumf %mul3A_101, %mul3A_104 : vector<256x4096xf32>
    %convert_element_type3A_106 = arith.truncf %max3A_105 : vector<256x4096xf32> to vector<256x4096xbf16>
    %mul3A_107 = arith.mulf %convert_element_type3A_106, %convert_element_type3A : vector<256x4096xbf16>
    %get3A_108 = arith.constant 0 : index
    %get3A_109 = arith.constant 384 : index
    %get3A_110 = vector.load %arg6[%get3A_108, %get3A_109] : memref<4096x512xbf16, #tpu.memory_space<vmem>>, vector<4096x128xbf16>
    %dot_general3A_111 = arith.constant dense<0.000000e+00> : vector<256x128xf32>
    %dot_general3A_112 = tpu.matmul %mul3A_107, %get3A_110, %dot_general3A_111 {dimension_numbers = #tpu.dot_dimension_numbers<[1], [0], [0], [1], [0, 0, 1, 1], [], []>, transpose_lhs_hint = false} : vector<256x4096xbf16>, vector<4096x128xbf16>, vector<256x128xf32> -> vector<256x128xf32>
    %slice3A_113 = vector.extract_strided_slice %dot_general3A_112 {offsets = [0, 64], sizes = [256, 1], strides = [1, 1]} : vector<256x128xf32> to vector<256x1xf32>
    %slice3A_114 = vector.extract_strided_slice %dot_general3A_112 {offsets = [0, 0], sizes = [256, 64], strides = [1, 1]} : vector<256x128xf32> to vector<256x64xf32>
    %div3A_115 = vector.broadcast %slice3A_113 : vector<256x1xf32> to vector<256x64xf32>
    %div3A_116 = arith.divf %slice3A_114, %div3A_115 : vector<256x64xf32>
    %concatenate3A = tpu.concatenate %div3A_38, %div3A_64, %div3A_90, %div3A_116 in 1 : vector<256x64xf32>, vector<256x64xf32>, vector<256x64xf32>, vector<256x64xf32> -> vector<256x256xf32>
    %gt3A_117 = arith.constant 0.000000e+00 : f32
    %gt3A_118 = vector.broadcast %gt3A_117 : f32 to vector<256x256xf32>
    %gt3A_119 = arith.cmpf ogt, %concatenate3A, %gt3A_118 : vector<256x256xf32>
    %exp3A = math.exp %concatenate3A : vector<256x256xf32>
    %sub3A = arith.constant 1.000000e+00 : f32
    %sub3A_120 = vector.broadcast %sub3A : f32 to vector<256x256xf32>
    %sub3A_121 = arith.subf %exp3A, %sub3A_120 : vector<256x256xf32>
    %select_n3A_122 = arith.select %gt3A_119, %concatenate3A, %sub3A_121 : vector<256x256xi1>, vector<256x256xf32>
    %get3A_123 = arith.constant 0 : index
    %get3A_124 = arith.constant 0 : index
    %get3A_125 = vector.load %arg7[%get3A_123, %get3A_124] : memref<256x256xf32, #tpu.memory_space<vmem>>, vector<256x256xf32>
    %get3A_126 = arith.constant 0 : index
    %get3A_127 = arith.constant 0 : index
    %get3A_128 = vector.load %arg8[%get3A_126, %get3A_127] : memref<256x8xf32, #tpu.memory_space<vmem>>, vector<256x8xf32>
    %dot_general3A_129 = arith.constant dense<0.000000e+00> : vector<256x256xf32>
    %dot_general3A_130 = tpu.matmul %select_n3A_122, %get3A_125, %dot_general3A_129 {dimension_numbers = #tpu.dot_dimension_numbers<[1], [0], [0], [1], [0, 0, 1, 1], [], []>, transpose_lhs_hint = false} : vector<256x256xf32>, vector<256x256xf32>, vector<256x256xf32> -> vector<256x256xf32>
    %dot_general3A_131 = arith.constant dense<0.000000e+00> : vector<256x8xf32>
    %dot_general3A_132 = tpu.matmul %dot_general3A_130, %get3A_128, %dot_general3A_131 {dimension_numbers = #tpu.dot_dimension_numbers<[1], [0], [0], [1], [0, 0, 1, 1], [], []>, transpose_lhs_hint = false} : vector<256x256xf32>, vector<256x8xf32>, vector<256x8xf32> -> vector<256x8xf32>
    %exp23A = math.exp2 %dot_general3A_132 : vector<256x8xf32>
    %mul3A_133 = arith.constant 2.000000e-01 : f32
    %mul3A_134 = vector.broadcast %mul3A_133 : f32 to vector<256x8xf32>
    %mul3A_135 = arith.mulf %mul3A_134, %dot_general3A_132 : vector<256x8xf32>
    %exp23A_136 = math.exp2 %mul3A_135 : vector<256x8xf32>
    %convert_element_type3A_137 = arith.truncf %dot_general3A_130 : vector<256x256xf32> to vector<256x256xbf16>
    %broadcast_in_dim3A_138 = arith.constant 1.000000e+00 : bf16
    %broadcast_in_dim3A_139 = vector.broadcast %broadcast_in_dim3A_138 : bf16 to vector<256x1xbf16>
    %broadcast_in_dim3A_140 = arith.constant 0.000000e+00 : bf16
    %broadcast_in_dim3A_141 = vector.broadcast %broadcast_in_dim3A_140 : bf16 to vector<256x63xbf16>
    %slice3A_142 = vector.extract_strided_slice %convert_element_type3A_137 {offsets = [0, 0], sizes = [256, 64], strides = [1, 1]} : vector<256x256xbf16> to vector<256x64xbf16>
    %slice3A_143 = vector.extract_strided_slice %convert_element_type3A_137 {offsets = [0, 64], sizes = [256, 64], strides = [1, 1]} : vector<256x256xbf16> to vector<256x64xbf16>
    %slice3A_144 = vector.extract_strided_slice %convert_element_type3A_137 {offsets = [0, 128], sizes = [256, 64], strides = [1, 1]} : vector<256x256xbf16> to vector<256x64xbf16>
    %slice3A_145 = vector.extract_strided_slice %convert_element_type3A_137 {offsets = [0, 192], sizes = [256, 64], strides = [1, 1]} : vector<256x256xbf16> to vector<256x64xbf16>
    %concatenate3A_146 = tpu.concatenate %slice3A_142, %broadcast_in_dim3A_139, %broadcast_in_dim3A_141, %slice3A_143, %broadcast_in_dim3A_139, %broadcast_in_dim3A_141, %slice3A_144, %broadcast_in_dim3A_139, %broadcast_in_dim3A_141, %slice3A_145, %broadcast_in_dim3A_139, %broadcast_in_dim3A_141 in 1 : vector<256x64xbf16>, vector<256x1xbf16>, vector<256x63xbf16>, vector<256x64xbf16>, vector<256x1xbf16>, vector<256x63xbf16>, vector<256x64xbf16>, vector<256x1xbf16>, vector<256x63xbf16>, vector<256x64xbf16>, vector<256x1xbf16>, vector<256x63xbf16> -> vector<256x512xbf16>
    %transpose3A = tpu.transpose %exp23A, [1, 0] : vector<256x8xf32> -> vector<8x256xf32>
    %transpose3A_147 = tpu.transpose %exp23A_136, [1, 0] : vector<256x8xf32> -> vector<8x256xf32>
    %swap3A_148 = arith.constant 0 : index
    %swap3A_149 = arith.constant 0 : index
    %swap3A_150 = vector.load %arg10[%swap3A_148, %swap3A_149] : memref<256x512xbf16, #tpu.memory_space<vmem>>, vector<256x512xbf16>
    tpu.vector_store %arg10[%swap3A_148, %swap3A_149], %concatenate3A_146 {strides = array<i32>} : memref<256x512xbf16, #tpu.memory_space<vmem>>, vector<256x512xbf16>,
    %swap3A_151 = arith.constant 0 : index
    %swap3A_152 = arith.constant 0 : index
    %swap3A_153 = vector.load %arg11[%swap3A_151, %swap3A_152] : memref<256x8xf32, #tpu.memory_space<vmem>>, vector<256x8xf32>
    tpu.vector_store %arg11[%swap3A_151, %swap3A_152], %exp23A {strides = array<i32>} : memref<256x8xf32, #tpu.memory_space<vmem>>, vector<256x8xf32>,
    %swap3A_154 = arith.constant 0 : index
    %swap3A_155 = arith.constant 0 : index
    %swap3A_156 = vector.load %arg12[%swap3A_154, %swap3A_155] : memref<256x8xf32, #tpu.memory_space<vmem>>, vector<256x8xf32>
    tpu.vector_store %arg12[%swap3A_154, %swap3A_155], %exp23A_136 {strides = array<i32>} : memref<256x8xf32, #tpu.memory_space<vmem>>, vector<256x8xf32>,
    %swap3A_157 = arith.constant 0 : index
    %swap3A_158 = arith.constant 0 : index
    %swap3A_159 = vector.load %arg13[%swap3A_157, %swap3A_158] : memref<8x256xf32, #tpu.memory_space<vmem>>, vector<8x256xf32>
    tpu.vector_store %arg13[%swap3A_157, %swap3A_158], %transpose3A {strides = array<i32>} : memref<8x256xf32, #tpu.memory_space<vmem>>, vector<8x256xf32>,
    %swap3A_160 = arith.constant 0 : index
    %swap3A_161 = arith.constant 0 : index
    %swap3A_162 = vector.load %arg14[%swap3A_160, %swap3A_161] : memref<8x256xf32, #tpu.memory_space<vmem>>, vector<8x256xf32>
    tpu.vector_store %arg14[%swap3A_160, %swap3A_161], %transpose3A_147 {strides = array<i32>} : memref<8x256xf32, #tpu.memory_space<vmem>>, vector<8x256xf32>,
    return
  }
  func.func @transform_0(%arg0: i32) -> (i32, i32) {
    %c0_i32 = arith.constant 0 : i32
    %c0_i32_0 = arith.constant 0 : i32
    return %arg0, %c0_i32 : i32, i32
  }
  func.func @transform_1(%arg0: i32) -> (i32, i32) {
    %c0_i32 = arith.constant 0 : i32
    %c0_i32_0 = arith.constant 0 : i32
    return %arg0, %c0_i32 : i32, i32
  }
  func.func @transform_2(%arg0: i32) -> (i32, i32) {
    %c0_i32 = arith.constant 0 : i32
    %c0_i32_0 = arith.constant 0 : i32
    return %arg0, %c0_i32 : i32, i32
  }
  func.func @transform_3(%arg0: i32) -> (i32, i32) {
    %c0_i32 = arith.constant 0 : i32
    %c0_i32_0 = arith.constant 0 : i32
    %c0_i32_1 = arith.constant 0 : i32
    return %c0_i32, %c0_i32_0 : i32, i32
  }
  func.func @transform_4(%arg0: i32) -> (i32, i32) {
    %c0_i32 = arith.constant 0 : i32
    %c0_i32_0 = arith.constant 0 : i32
    %c0_i32_1 = arith.constant 0 : i32
    return %c0_i32, %c0_i32_0 : i32, i32
  }
  func.func @transform_5(%arg0: i32) -> (i32, i32) {
    %c0_i32 = arith.constant 0 : i32
    %c0_i32_0 = arith.constant 0 : i32
    %c0_i32_1 = arith.constant 0 : i32
    return %c0_i32, %c0_i32_0 : i32, i32
  }
  func.func @transform_6(%arg0: i32) -> (i32, i32) {
    %c0_i32 = arith.constant 0 : i32
    %c0_i32_0 = arith.constant 0 : i32
    %c0_i32_1 = arith.constant 0 : i32
    return %c0_i32, %c0_i32_0 : i32, i32
  }
  func.func @transform_7(%arg0: i32) -> (i32, i32) {
    %c0_i32 = arith.constant 0 : i32
    %c0_i32_0 = arith.constant 0 : i32
    %c0_i32_1 = arith.constant 0 : i32
    return %c0_i32, %c0_i32_0 : i32, i32
  }
  func.func @transform_8(%arg0: i32) -> (i32, i32) {
    %c0_i32 = arith.constant 0 : i32
    %c0_i32_0 = arith.constant 0 : i32
    return %arg0, %c0_i32 : i32, i32
  }
  func.func @transform_9(%arg0: i32) -> (i32, i32) {
    %c0_i32 = arith.constant 0 : i32
    %c0_i32_0 = arith.constant 0 : i32
    return %arg0, %c0_i32 : i32, i32
  }
  func.func @transform_10(%arg0: i32) -> (i32, i32) {
    %c0_i32 = arith.constant 0 : i32
    %c0_i32_0 = arith.constant 0 : i32
    return %arg0, %c0_i32 : i32, i32
  }
  func.func @transform_11(%arg0: i32) -> (i32, i32) {
    %c0_i32 = arith.constant 0 : i32
    %c0_i32_0 = arith.constant 0 : i32
    return %arg0, %c0_i32 : i32, i32
  }
  func.func @transform_12(%arg0: i32) -> (i32, i32) {
    %c0_i32 = arith.constant 0 : i32
    %c0_i32_0 = arith.constant 0 : i32
    return %c0_i32, %arg0 : i32, i32
  }
  func.func @transform_13(%arg0: i32) -> (i32, i32) {
    %c0_i32 = arith.constant 0 : i32
    %c0_i32_0 = arith.constant 0 : i32
    return %c0_i32, %arg0 : i32, i32
  }
}

module attributes {stable_mosaic.version = 14 : i64} {
  func.func @_unit1_kernel(%arg0: i32, %arg1: memref<256x4096xbf16, #tpu.memory_space<vmem>>, %arg2: memref<256x8xf32, #tpu.memory_space<vmem>>, %arg3: memref<256x8xf32, #tpu.memory_space<vmem>>, %arg4: memref<8x4096xf32, #tpu.memory_space<vmem>>, %arg5: memref<8x4096xf32, #tpu.memory_space<vmem>>, %arg6: memref<4096x512xbf16, #tpu.memory_space<vmem>>, %arg7: memref<256x256xf32, #tpu.memory_space<vmem>>) attributes {dimension_semantics = [#tpu.dimension_semantics<arbitrary>], iteration_bounds = array<i64: 16>, scalar_prefetch = 0 : i64, scratch_operands = 0 : i64, tpu.core_type = #tpu.core_type<tc>, window_params = [{transform_indices = @transform_0, window_bounds = array<i64: 256, 4096>}, {transform_indices = @transform_1, window_bounds = array<i64: 256, 8>}, {transform_indices = @transform_2, window_bounds = array<i64: 256, 8>}, {pipeline_mode = #tpu.pipeline_mode<synchronous>, transform_indices = @transform_3, window_bounds = array<i64: 8, 4096>}, {pipeline_mode = #tpu.pipeline_mode<synchronous>, transform_indices = @transform_4, window_bounds = array<i64: 8, 4096>}, {pipeline_mode = #tpu.pipeline_mode<synchronous>, transform_indices = @transform_5, window_bounds = array<i64: 4096, 512>}, {transform_indices = @transform_6, window_bounds = array<i64: 256, 256>}]} {
    %get3A = arith.constant 0 : index
    %get3A_0 = arith.constant 0 : index
    %get3A_1 = vector.load %arg1[%get3A, %get3A_0] : memref<256x4096xbf16, #tpu.memory_space<vmem>>, vector<256x4096xbf16>
    %get3A_2 = arith.constant 0 : index
    %get3A_3 = arith.constant 0 : index
    %get3A_4 = vector.load %arg2[%get3A_2, %get3A_3] : memref<256x8xf32, #tpu.memory_space<vmem>>, vector<256x8xf32>
    %get3A_5 = arith.constant 0 : index
    %get3A_6 = arith.constant 0 : index
    %get3A_7 = vector.load %arg3[%get3A_5, %get3A_6] : memref<256x8xf32, #tpu.memory_space<vmem>>, vector<256x8xf32>
    %slice3A = vector.extract_strided_slice %get3A_4 {offsets = [0, 0], sizes = [256, 1], strides = [1, 1]} : vector<256x8xf32> to vector<256x1xf32>
    %slice3A_8 = vector.extract_strided_slice %get3A_7 {offsets = [0, 0], sizes = [256, 1], strides = [1, 1]} : vector<256x8xf32> to vector<256x1xf32>
    %get3A_9 = arith.constant 4 : index
    %get3A_10 = arith.constant 0 : index
    %get3A_11 = vector.load %arg4[%get3A_9, %get3A_10] : memref<8x4096xf32, #tpu.memory_space<vmem>>, vector<1x4096xf32>
    %get3A_12 = arith.constant 4 : index
    %get3A_13 = arith.constant 0 : index
    %get3A_14 = vector.load %arg5[%get3A_12, %get3A_13] : memref<8x4096xf32, #tpu.memory_space<vmem>>, vector<1x4096xf32>
    %mul3A = vector.broadcast %slice3A : vector<256x1xf32> to vector<256x4096xf32>
    %mul3A_15 = vector.broadcast %get3A_11 : vector<1x4096xf32> to vector<256x4096xf32>
    %mul3A_16 = arith.mulf %mul3A, %mul3A_15 : vector<256x4096xf32>
    %mul3A_17 = vector.broadcast %slice3A_8 : vector<256x1xf32> to vector<256x4096xf32>
    %mul3A_18 = vector.broadcast %get3A_14 : vector<1x4096xf32> to vector<256x4096xf32>
    %mul3A_19 = arith.mulf %mul3A_17, %mul3A_18 : vector<256x4096xf32>
    %max3A = arith.maximumf %mul3A_16, %mul3A_19 : vector<256x4096xf32>
    %convert_element_type3A = arith.truncf %max3A : vector<256x4096xf32> to vector<256x4096xbf16>
    %mul3A_20 = arith.mulf %convert_element_type3A, %get3A_1 : vector<256x4096xbf16>
    %get3A_21 = arith.constant 0 : index
    %get3A_22 = arith.constant 0 : index
    %get3A_23 = vector.load %arg6[%get3A_21, %get3A_22] : memref<4096x512xbf16, #tpu.memory_space<vmem>>, vector<4096x128xbf16>
    %dot_general3A = arith.constant dense<0.000000e+00> : vector<256x128xf32>
    %dot_general3A_24 = tpu.matmul %mul3A_20, %get3A_23, %dot_general3A {dimension_numbers = #tpu.dot_dimension_numbers<[1], [0], [0], [1], [0, 0, 1, 1], [], []>, transpose_lhs_hint = false} : vector<256x4096xbf16>, vector<4096x128xbf16>, vector<256x128xf32> -> vector<256x128xf32>
    %slice3A_25 = vector.extract_strided_slice %dot_general3A_24 {offsets = [0, 64], sizes = [256, 1], strides = [1, 1]} : vector<256x128xf32> to vector<256x1xf32>
    %slice3A_26 = vector.extract_strided_slice %dot_general3A_24 {offsets = [0, 0], sizes = [256, 64], strides = [1, 1]} : vector<256x128xf32> to vector<256x64xf32>
    %div3A = vector.broadcast %slice3A_25 : vector<256x1xf32> to vector<256x64xf32>
    %div3A_27 = arith.divf %slice3A_26, %div3A : vector<256x64xf32>
    %slice3A_28 = vector.extract_strided_slice %get3A_4 {offsets = [0, 1], sizes = [256, 1], strides = [1, 1]} : vector<256x8xf32> to vector<256x1xf32>
    %slice3A_29 = vector.extract_strided_slice %get3A_7 {offsets = [0, 1], sizes = [256, 1], strides = [1, 1]} : vector<256x8xf32> to vector<256x1xf32>
    %get3A_30 = arith.constant 5 : index
    %get3A_31 = arith.constant 0 : index
    %get3A_32 = vector.load %arg4[%get3A_30, %get3A_31] : memref<8x4096xf32, #tpu.memory_space<vmem>>, vector<1x4096xf32>
    %get3A_33 = arith.constant 5 : index
    %get3A_34 = arith.constant 0 : index
    %get3A_35 = vector.load %arg5[%get3A_33, %get3A_34] : memref<8x4096xf32, #tpu.memory_space<vmem>>, vector<1x4096xf32>
    %mul3A_36 = vector.broadcast %slice3A_28 : vector<256x1xf32> to vector<256x4096xf32>
    %mul3A_37 = vector.broadcast %get3A_32 : vector<1x4096xf32> to vector<256x4096xf32>
    %mul3A_38 = arith.mulf %mul3A_36, %mul3A_37 : vector<256x4096xf32>
    %mul3A_39 = vector.broadcast %slice3A_29 : vector<256x1xf32> to vector<256x4096xf32>
    %mul3A_40 = vector.broadcast %get3A_35 : vector<1x4096xf32> to vector<256x4096xf32>
    %mul3A_41 = arith.mulf %mul3A_39, %mul3A_40 : vector<256x4096xf32>
    %max3A_42 = arith.maximumf %mul3A_38, %mul3A_41 : vector<256x4096xf32>
    %convert_element_type3A_43 = arith.truncf %max3A_42 : vector<256x4096xf32> to vector<256x4096xbf16>
    %mul3A_44 = arith.mulf %convert_element_type3A_43, %get3A_1 : vector<256x4096xbf16>
    %get3A_45 = arith.constant 0 : index
    %get3A_46 = arith.constant 128 : index
    %get3A_47 = vector.load %arg6[%get3A_45, %get3A_46] : memref<4096x512xbf16, #tpu.memory_space<vmem>>, vector<4096x128xbf16>
    %dot_general3A_48 = arith.constant dense<0.000000e+00> : vector<256x128xf32>
    %dot_general3A_49 = tpu.matmul %mul3A_44, %get3A_47, %dot_general3A_48 {dimension_numbers = #tpu.dot_dimension_numbers<[1], [0], [0], [1], [0, 0, 1, 1], [], []>, transpose_lhs_hint = false} : vector<256x4096xbf16>, vector<4096x128xbf16>, vector<256x128xf32> -> vector<256x128xf32>
    %slice3A_50 = vector.extract_strided_slice %dot_general3A_49 {offsets = [0, 64], sizes = [256, 1], strides = [1, 1]} : vector<256x128xf32> to vector<256x1xf32>
    %slice3A_51 = vector.extract_strided_slice %dot_general3A_49 {offsets = [0, 0], sizes = [256, 64], strides = [1, 1]} : vector<256x128xf32> to vector<256x64xf32>
    %div3A_52 = vector.broadcast %slice3A_50 : vector<256x1xf32> to vector<256x64xf32>
    %div3A_53 = arith.divf %slice3A_51, %div3A_52 : vector<256x64xf32>
    %slice3A_54 = vector.extract_strided_slice %get3A_4 {offsets = [0, 2], sizes = [256, 1], strides = [1, 1]} : vector<256x8xf32> to vector<256x1xf32>
    %slice3A_55 = vector.extract_strided_slice %get3A_7 {offsets = [0, 2], sizes = [256, 1], strides = [1, 1]} : vector<256x8xf32> to vector<256x1xf32>
    %get3A_56 = arith.constant 6 : index
    %get3A_57 = arith.constant 0 : index
    %get3A_58 = vector.load %arg4[%get3A_56, %get3A_57] : memref<8x4096xf32, #tpu.memory_space<vmem>>, vector<1x4096xf32>
    %get3A_59 = arith.constant 6 : index
    %get3A_60 = arith.constant 0 : index
    %get3A_61 = vector.load %arg5[%get3A_59, %get3A_60] : memref<8x4096xf32, #tpu.memory_space<vmem>>, vector<1x4096xf32>
    %mul3A_62 = vector.broadcast %slice3A_54 : vector<256x1xf32> to vector<256x4096xf32>
    %mul3A_63 = vector.broadcast %get3A_58 : vector<1x4096xf32> to vector<256x4096xf32>
    %mul3A_64 = arith.mulf %mul3A_62, %mul3A_63 : vector<256x4096xf32>
    %mul3A_65 = vector.broadcast %slice3A_55 : vector<256x1xf32> to vector<256x4096xf32>
    %mul3A_66 = vector.broadcast %get3A_61 : vector<1x4096xf32> to vector<256x4096xf32>
    %mul3A_67 = arith.mulf %mul3A_65, %mul3A_66 : vector<256x4096xf32>
    %max3A_68 = arith.maximumf %mul3A_64, %mul3A_67 : vector<256x4096xf32>
    %convert_element_type3A_69 = arith.truncf %max3A_68 : vector<256x4096xf32> to vector<256x4096xbf16>
    %mul3A_70 = arith.mulf %convert_element_type3A_69, %get3A_1 : vector<256x4096xbf16>
    %get3A_71 = arith.constant 0 : index
    %get3A_72 = arith.constant 256 : index
    %get3A_73 = vector.load %arg6[%get3A_71, %get3A_72] : memref<4096x512xbf16, #tpu.memory_space<vmem>>, vector<4096x128xbf16>
    %dot_general3A_74 = arith.constant dense<0.000000e+00> : vector<256x128xf32>
    %dot_general3A_75 = tpu.matmul %mul3A_70, %get3A_73, %dot_general3A_74 {dimension_numbers = #tpu.dot_dimension_numbers<[1], [0], [0], [1], [0, 0, 1, 1], [], []>, transpose_lhs_hint = false} : vector<256x4096xbf16>, vector<4096x128xbf16>, vector<256x128xf32> -> vector<256x128xf32>
    %slice3A_76 = vector.extract_strided_slice %dot_general3A_75 {offsets = [0, 64], sizes = [256, 1], strides = [1, 1]} : vector<256x128xf32> to vector<256x1xf32>
    %slice3A_77 = vector.extract_strided_slice %dot_general3A_75 {offsets = [0, 0], sizes = [256, 64], strides = [1, 1]} : vector<256x128xf32> to vector<256x64xf32>
    %div3A_78 = vector.broadcast %slice3A_76 : vector<256x1xf32> to vector<256x64xf32>
    %div3A_79 = arith.divf %slice3A_77, %div3A_78 : vector<256x64xf32>
    %slice3A_80 = vector.extract_strided_slice %get3A_4 {offsets = [0, 3], sizes = [256, 1], strides = [1, 1]} : vector<256x8xf32> to vector<256x1xf32>
    %slice3A_81 = vector.extract_strided_slice %get3A_7 {offsets = [0, 3], sizes = [256, 1], strides = [1, 1]} : vector<256x8xf32> to vector<256x1xf32>
    %get3A_82 = arith.constant 7 : index
    %get3A_83 = arith.constant 0 : index
    %get3A_84 = vector.load %arg4[%get3A_82, %get3A_83] : memref<8x4096xf32, #tpu.memory_space<vmem>>, vector<1x4096xf32>
    %get3A_85 = arith.constant 7 : index
    %get3A_86 = arith.constant 0 : index
    %get3A_87 = vector.load %arg5[%get3A_85, %get3A_86] : memref<8x4096xf32, #tpu.memory_space<vmem>>, vector<1x4096xf32>
    %mul3A_88 = vector.broadcast %slice3A_80 : vector<256x1xf32> to vector<256x4096xf32>
    %mul3A_89 = vector.broadcast %get3A_84 : vector<1x4096xf32> to vector<256x4096xf32>
    %mul3A_90 = arith.mulf %mul3A_88, %mul3A_89 : vector<256x4096xf32>
    %mul3A_91 = vector.broadcast %slice3A_81 : vector<256x1xf32> to vector<256x4096xf32>
    %mul3A_92 = vector.broadcast %get3A_87 : vector<1x4096xf32> to vector<256x4096xf32>
    %mul3A_93 = arith.mulf %mul3A_91, %mul3A_92 : vector<256x4096xf32>
    %max3A_94 = arith.maximumf %mul3A_90, %mul3A_93 : vector<256x4096xf32>
    %convert_element_type3A_95 = arith.truncf %max3A_94 : vector<256x4096xf32> to vector<256x4096xbf16>
    %mul3A_96 = arith.mulf %convert_element_type3A_95, %get3A_1 : vector<256x4096xbf16>
    %get3A_97 = arith.constant 0 : index
    %get3A_98 = arith.constant 384 : index
    %get3A_99 = vector.load %arg6[%get3A_97, %get3A_98] : memref<4096x512xbf16, #tpu.memory_space<vmem>>, vector<4096x128xbf16>
    %dot_general3A_100 = arith.constant dense<0.000000e+00> : vector<256x128xf32>
    %dot_general3A_101 = tpu.matmul %mul3A_96, %get3A_99, %dot_general3A_100 {dimension_numbers = #tpu.dot_dimension_numbers<[1], [0], [0], [1], [0, 0, 1, 1], [], []>, transpose_lhs_hint = false} : vector<256x4096xbf16>, vector<4096x128xbf16>, vector<256x128xf32> -> vector<256x128xf32>
    %slice3A_102 = vector.extract_strided_slice %dot_general3A_101 {offsets = [0, 64], sizes = [256, 1], strides = [1, 1]} : vector<256x128xf32> to vector<256x1xf32>
    %slice3A_103 = vector.extract_strided_slice %dot_general3A_101 {offsets = [0, 0], sizes = [256, 64], strides = [1, 1]} : vector<256x128xf32> to vector<256x64xf32>
    %div3A_104 = vector.broadcast %slice3A_102 : vector<256x1xf32> to vector<256x64xf32>
    %div3A_105 = arith.divf %slice3A_103, %div3A_104 : vector<256x64xf32>
    %concatenate3A = tpu.concatenate %div3A_27, %div3A_53, %div3A_79, %div3A_105 in 1 : vector<256x64xf32>, vector<256x64xf32>, vector<256x64xf32>, vector<256x64xf32> -> vector<256x256xf32>
    %gt3A = arith.constant 0.000000e+00 : f32
    %gt3A_106 = vector.broadcast %gt3A : f32 to vector<256x256xf32>
    %gt3A_107 = arith.cmpf ogt, %concatenate3A, %gt3A_106 : vector<256x256xf32>
    %exp3A = math.exp %concatenate3A : vector<256x256xf32>
    %sub3A = arith.constant 1.000000e+00 : f32
    %sub3A_108 = vector.broadcast %sub3A : f32 to vector<256x256xf32>
    %sub3A_109 = arith.subf %exp3A, %sub3A_108 : vector<256x256xf32>
    %select_n3A = arith.select %gt3A_107, %concatenate3A, %sub3A_109 : vector<256x256xi1>, vector<256x256xf32>
    %swap3A = arith.constant 0 : index
    %swap3A_110 = arith.constant 0 : index
    %swap3A_111 = vector.load %arg7[%swap3A, %swap3A_110] : memref<256x256xf32, #tpu.memory_space<vmem>>, vector<256x256xf32>
    tpu.vector_store %arg7[%swap3A, %swap3A_110], %select_n3A {strides = array<i32>} : memref<256x256xf32, #tpu.memory_space<vmem>>, vector<256x256xf32>,
    return
  }
  func.func @transform_0(%arg0: i32) -> (i32, i32) {
    %c0_i32 = arith.constant 0 : i32
    %c0_i32_0 = arith.constant 0 : i32
    return %arg0, %c0_i32 : i32, i32
  }
  func.func @transform_1(%arg0: i32) -> (i32, i32) {
    %c0_i32 = arith.constant 0 : i32
    %c0_i32_0 = arith.constant 0 : i32
    return %arg0, %c0_i32 : i32, i32
  }
  func.func @transform_2(%arg0: i32) -> (i32, i32) {
    %c0_i32 = arith.constant 0 : i32
    %c0_i32_0 = arith.constant 0 : i32
    return %arg0, %c0_i32 : i32, i32
  }
  func.func @transform_3(%arg0: i32) -> (i32, i32) {
    %c0_i32 = arith.constant 0 : i32
    %c0_i32_0 = arith.constant 0 : i32
    %c0_i32_1 = arith.constant 0 : i32
    return %c0_i32, %c0_i32_0 : i32, i32
  }
  func.func @transform_4(%arg0: i32) -> (i32, i32) {
    %c0_i32 = arith.constant 0 : i32
    %c0_i32_0 = arith.constant 0 : i32
    %c0_i32_1 = arith.constant 0 : i32
    return %c0_i32, %c0_i32_0 : i32, i32
  }
  func.func @transform_5(%arg0: i32) -> (i32, i32) {
    %c0_i32 = arith.constant 0 : i32
    %c0_i32_0 = arith.constant 0 : i32
    %c0_i32_1 = arith.constant 0 : i32
    return %c0_i32, %c0_i32_0 : i32, i32
  }
  func.func @transform_6(%arg0: i32) -> (i32, i32) {
    %c0_i32 = arith.constant 0 : i32
    %c0_i32_0 = arith.constant 0 : i32
    return %arg0, %c0_i32 : i32, i32
  }
}

</mosaic_0001>

<sc_bundles>
// kernel: gather_offload_async_start
scs
__scs_entry_jumppad:
0x0: {  	(pc) =	sbr.rel $0x88, $3  }
0x1: {  	(tag) =	ssettag $0x0;
	lr =	simm.s32 $0x1  }
0x2: {  	[smem:$0x3F9B] =	sst lr;
	_ =	strace $0xD0000000  }
0x3: {  	_ = 	snop  }
0x4: {  	_ = 	snop  }
0x5: {  	_ = 	snop  }
0x6: {  	_ = 	snop  }
0x7: {  	_ = 	snop  }
__scs_overlays_trampoline_lowered:
0x8: {  	[smem:$0x3FAA] =	sst s0  }
0x9: {  	[smem:$0x3FAB] =	sst s1  }
0xa: {  	[smem:$0x3FAC] =	sst s2  }
0xb: {  	[smem:$0x3FAD] =	sst s3  }
0xc: {  	[smem:$0x3FAE] =	sst s4  }
0xd: {  	[smem:$0x3FAF] =	sst s5  }
0xe: {  	[smem:$0x3FB0] =	sst s6  }
0xf: {  	[smem:$0x3FB1] =	sst s7  }
0x10: {  	[smem:$0x3FB2] =	sst s8  }
0x11: {  	[smem:$0x3FB3] =	sst s9;
	s0 =	simm.s32 @!p0 $0x0  }
0x12: {  	s1 =	sld [smem:$0x3F99];
	s0 =	simm.s32 @p0 $0x1  }
0x13: {  	[smem:$0x3FB4] =	sst s0;
	s0 =	simm.s32 @!p1 $0x0  }
0x14: {  	s2 =	sld [smem:$0x3F98];
	s0 =	simm.s32 @p1 $0x1  }
0x15: {  	[smem:$0x3FB5] =	sst s0;
	s0 =	simm.s32 @!p2 $0x0  }
0x16: {  	s3 =	sld [smem:$0x3FDB];
	s0 =	simm.s32 @p2 $0x1  }
0x17: {  	s4 =	simm.s32 $0x1BF5;
	[smem:$0x3FB7] =	sst s0  }
0x18: {  	s0 =	sld [smem:$0x3F9A];
	_ =	swait.ge [sflag:s4], $0x0  }
0x19: {  	s7 =	sld [smem:$0x3F9B]  }
0x1a: {  	s8 =	sadd.s32 $0xFFFFE003, lr  }
0x1b: {  	s9 =	sadd.s32 $0xFFFFFEF7, lr;
	s5 =	simm.s32 $0xFFFFFFFF;
	p2 =	slt.u32 s8, $0xFFFFF086  }
0x1c: {  	p1 =	slt.u32 s9, $0xF7A;
	s5 =	simm.s32 @!p2 $0x0  }
0x1d: {  	s5 =	simm.s32 @p1 $0x1;
	p0 =	seq.s32 s7, s2  }
0x1e: {  	s7 =	smul.u32 @!p0 $0xF7A, s2;
	p2 =	seq.s32 @!p0 s5, $0x0  }
0x1f: {  	s9 =	smul.u32 $0xF7A, s1;
	s8 =	simm.s32 @!p0 $0x1BF5;
	p2 =	por !p2, p0  }
0x20: {  	[sflag:s8] =	ssyncset.s32 @!p0 $0xFFFFF086;
	s6 =	sadd.s32 @!p0 s3, s7;
	s7 =	simm.s32 @!p0 $0x108  }
0x21: {  	s3 =	sadd.s32 s3, s9;
	s6 =	sadd.s32 @!p0 $0x88, s6;
	s7 =	simm.s32 @p2 $0x1082  }
0x22: {  	[simem:s7], [sflag:s8] =	dma.local @!p0 [hbm:s6], $0xF7A  }
0x23: {  	s9 =	sor.u32 $0xD0000000, s2;
	s6 =	simm.s32 $0x108;
	_ =	swait.ge @!p0 [sflag:s8], $0x0  }
0x24: {  	s3 =	sadd.s32 $0x88, s3;
	s6 =	simm.s32 @!p1 $0x1082;
	[sflag:s4] =	ssyncset.s32 $0xFFFFF086  }
0x25: {  	[simem:s6], [sflag:s4] =	dma.local [hbm:s3], $0xF7A  }
0x26: {  	[smem:$0x3F9B] =	sst s1;
	(tag) =	ssettag s2;
	_ =	strace s9  }
0x27: {  	s1 =	sld [smem:$0x3FAB]  }
0x28: {  	s2 =	sld [smem:$0x3FAC]  }
0x29: {  	s4 =	sld [smem:$0x3FAE]  }
0x2a: {  	p0 =	seq.s32 s5, $0x0;
	s5 =	sld [smem:$0x3FAF]  }
0x2b: {  	s6 =	sld [smem:$0x3FB0]  }
0x2c: {  	s7 =	sld [smem:$0x3FB1]  }
0x2d: {  	s3 =	simm.s32 $0x108;
	s8 =	sld [smem:$0x3FB2]  }
0x2e: {  	s3 =	simm.s32 @!p0 $0x1082;
	s9 =	sld [smem:$0x3FB3]  }
0x2f: {  	lr =	sadd.s32 s0, s3;
	s0 =	sld [smem:$0x3FAA]  }
0x30: {  	s3 =	sld [smem:$0x3FAD]  }
0x31: {  	[smem:$0x3FB6] =	sst s10  }
0x32: {  	s10 =	sld [smem:$0x3FB4];
	_ =	sdelay $0x3  }
0x33: {  	p0 =	seq.s32 s10, $0x1;
	s10 =	sld [smem:$0x3FB6];
	_ =	sdelay $0x3  }
0x34: {  	[smem:$0x3FB6] =	sst s10  }
0x35: {  	s10 =	sld [smem:$0x3FB5];
	_ =	sdelay $0x3  }
0x36: {  	p1 =	seq.s32 s10, $0x1;
	s10 =	sld [smem:$0x3FB6];
	_ =	sdelay $0x3  }
0x37: {  	[smem:$0x3FB6] =	sst s10  }
0x38: {  	s10 =	sld [smem:$0x3FB7]  }
0x39: {  	_ = 	snop;
	(pc) =	sbr.ind lr, $3  }
0x3a: {  	_ = 	snop  }
0x3b: {  	_ = 	snop  }
0x3c: {  	p2 =	seq.s32 s10, $0x1;
	s10 =	sld [smem:$0x3FB6]  }
0x3d: {  	_ =	shalt  }
0x3e: {  	_ =	shalt  }
0x3f: {  	_ =	shalt  }
0x40: {  	_ =	shalt  }
0x41: {  	_ =	shalt  }
0x42: {  	_ =	shalt  }
0x43: {  	_ =	shalt  }
0x44: {  	_ =	shalt  }
0x45: {  	_ =	shalt  }
0x46: {  	_ =	shalt  }
0x47: {  	_ =	shalt  }
0x48: {  	_ =	shalt  }
0x49: {  	_ =	shalt  }
0x4a: {  	_ =	shalt  }
0x4b: {  	_ =	shalt  }
0x4c: {  	_ =	shalt  }
0x4d: {  	_ =	shalt  }
0x4e: {  	_ =	shalt  }
0x4f: {  	_ =	shalt  }
0x50: {  	_ =	shalt  }
0x51: {  	_ =	shalt  }
0x52: {  	_ =	shalt  }
0x53: {  	_ =	shalt  }
0x54: {  	_ =	shalt  }
0x55: {  	_ =	shalt  }
0x56: {  	_ =	shalt  }
0x57: {  	_ =	shalt  }
0x58: {  	_ =	shalt  }
0x59: {  	_ =	shalt  }
0x5a: {  	_ =	shalt  }
0x5b: {  	_ =	shalt  }
0x5c: {  	_ =	shalt  }
0x5d: {  	_ =	shalt  }
0x5e: {  	_ =	shalt  }
0x5f: {  	_ =	shalt  }
0x60: {  	_ =	shalt  }
0x61: {  	_ =	shalt  }
0x62: {  	_ =	shalt  }
0x63: {  	_ =	shalt  }
0x64: {  	_ =	shalt  }
0x65: {  	_ =	shalt  }
0x66: {  	_ =	shalt  }
0x67: {  	_ =	shalt  }
0x68: {  	_ =	shalt  }
0x69: {  	_ =	shalt  }
0x6a: {  	_ =	shalt  }
0x6b: {  	_ =	shalt  }
0x6c: {  	_ =	shalt  }
0x6d: {  	_ =	shalt  }
0x6e: {  	_ =	shalt  }
0x6f: {  	_ =	shalt  }
0x70: {  	_ =	shalt  }
0x71: {  	_ =	shalt  }
0x72: {  	_ =	shalt  }
0x73: {  	_ =	shalt  }
0x74: {  	_ =	shalt  }
0x75: {  	_ =	shalt  }
0x76: {  	_ =	shalt  }
0x77: {  	_ =	shalt  }
0x78: {  	_ =	shalt  }
0x79: {  	_ =	shalt  }
0x7a: {  	_ =	shalt  }
0x7b: {  	_ =	shalt  }
0x7c: {  	_ =	shalt  }
0x7d: {  	_ =	shalt  }
0x7e: {  	_ =	shalt  }
0x7f: {  	_ =	shalt  }
0x80: {  	_ =	shalt  }
0x81: {  	_ =	shalt  }
0x82: {  	_ =	shalt  }
0x83: {  	_ =	shalt  }
0x84: {  	_ =	shalt  }
0x85: {  	_ =	shalt  }
0x86: {  	_ =	shalt  }
0x87: {  	_ =	shalt  }
.Lfunc_end0:
.L_simem_size_0:
called_computation_lowered:
.L_overlay_start_0:
0x88: {  	s2 =	sld [smem:$0x3FD9]  }
0x89: {  	s3 =	sld [smem:$0x3FFE];
	_ =	sdelay $0x1  }
0x8a: {  	s1 =	srdreg.scid  }
0x8b: {  	s0 =	sand.u32 $0x1, s1  }
0x8c: {  	s17 =	sshll.u32 s0, $0xA;
	s2 =	sadd.s32 s3, s2  }
0x8d: {  	s2 =	sadd.s32 s2, s17  }
0x8e: {  	[smem:$0x3FC2] =	sst s2  }
0x8f: {  	_ = 	snop  }
0x90: {  	s2 =	sld [smem:$0x3FC7]  }
0x91: {  	s18 =	sld [smem:$0x3FD0];
	(tm) =	ssettm $0x1  }
0x92: {  	s4 =	sld [smem:$0x3FFB];
	_ =	sdelay $0x3  }
0x93: {  	_ =	strace s4  }
0x94: {  	s4 =	sld [smem:$0x3FFC];
	_ =	sdelay $0x3  }
0x95: {  	_ =	strace s4  }
0x96: {  	s4 =	sld [smem:$0x3FFD];
	_ =	sdelay $0x3  }
0x97: {  	_ =	strace s4  }
0x98: {  	_ =	strace $0x8FFFFFFF  }
0x99: {  	s19 =	sld [smem:$0x3FDB];
	_ =	sdelay $0x1  }
0x9a: {  	s5 =	simm.s32 $_scs_section_size  }
0x9b: {  	s6 =	simm.s32 $_size__tile_overlayer_lowered;
	s7 =	simm.s32 $_tile_overlayer_lowered  }
0x9c: {  	s22 =	simm.s32 $0x1BFF;
	s21 =	sshll.u32 s7, $0x1;
	s4 =	sadd.s32 s5, s19  }
0x9d: {  	s8 =	simm.s32 $0x0;
	s20 =	sshll.u32 s6, $0x1;
	s6 =	sadd.s32 s21, s4  }
0x9e: {  	[timem:s8], [sflag:s22] =	dma.local [hbm:s6], s20  }
0x9f: {  	_ =	swait.ge [sflag:s22], s20  }
0xa0: {  	s5 =	ssub.s32 $0x0, s20;
	[sflag:s22] =	ssyncset.done $0x0  }
0xa1: {  	[sflag:s22] =	ssyncadd.s32 s5;
	_ =	sdelay $0x1  }
0xa2: {  	s23 =	simm.s32 $0x1B8B  }
0xa3: {  	_ =	swait.ge [sflag:s23], $0x1  }
0xa4: {  	[sflag:s23] =	ssyncset.done $0x0  }
0xa5: {  	s25 =	simm.s32 $0x1B8E;
	s24 =	sld [smem:$0x3FFE];
	[sflag:s23] =	ssyncadd.s32 $0xFFFFFFFF  }
0xa6: {  	s26 =	simm.s32 $execute0_lowered;
	[smem:$0x3FD2] =	sst s25  }
0xa7: {  	s6 =	sshll.u32 s26, $0x1;
	_ =	strace $0x80000046;
	[dreg:$0x1] =	wrdreg $0xFFFFFFFF  }
0xa8: {  	s28 =	simm.s32 $_size_execute0_lowered;
	s4 =	sadd.s32 s4, s6;
	[dreg:$0x0] =	wrdreg $0x0  }
0xa9: {  	s6 =	sshll.u32 s28, $0x1;
	[dreg:$0x2] =	wrdreg s4  }
0xaa: {  	[dreg:$0x3] =	wrdreg s6  }
0xab: {  	[dreg:$0x4] =	wrdreg $0xC0  }
0xac: {  	_ =	task [dreg:s8], $0x5FFFF  }
0xad: {  	[dreg:$0x1] =	wrdreg $0xFFFFFFFF  }
0xae: {  	[dreg:$0x0] =	wrdreg $0x60  }
0xaf: {  	[dreg:$0x2] =	wrdreg s2  }
0xb0: {  	[dreg:$0x3] =	wrdreg s24  }
0xb1: {  	[dreg:$0x4] =	wrdreg s18  }
0xb2: {  	[dreg:$0x5] =	wrdreg $0x9  }
0xb3: {  	_ =	task.clear_ibuf [dreg:s8], $0x6FFFF;
	_ =	strace $0x90000046  }
0xb4: {  	s29 =	simm.s32 $0x9;
	_ =	strace $0x80000048  }
0xb5: {  	_ =	swait.ge [sflag:s29], $0x1  }
0xb6: {  	[sflag:s29] =	ssyncadd.s32 $0xFFFFFFFF  }
0xb7: {  	_ =	strace $0x90000048  }
0xb8: {  	_ =	sfence  }
0xb9: {  	s30 =	sld [smem:$0x0];
	_ =	sdelay $0x2  }
0xba: {  	s31 =	sshll.u32 s1, $0xD;
	s1 =	sshrl.u32 s1, $0x2  }
0xbb: {  	s3 =	sand.u32 $0x4000, s31;
	s1 =	sadd.s32 s1, s30  }
0xbc: {  	s0 =	sor.u32 s3, s0;
	s1 =	sshll.u32 s1, $0x11  }
0xbd: {  	s0 =	sor.u32 s1, s0  }
0xbe: {  	s0 =	sadd.s32 $0x8F2B, s0  }
0xbf: {  	[sflag:s0] =	ssyncadd.remote.s32 $0x1  }
0xc0: {  	_ =	sfence.sel $0xFFFF  }
0xc1: {  	[dreg:$0x0] =	wrdreg $0xFFFFFFFF;
	(pc) =	sbr.abs _section_cstart, $3  }
0xc2: {  	[dreg:$0x1] =	wrdreg $0xFFFFFFFF  }
0xc3: {  	_ =	task.clear_ibuf [dreg:s8], $0x2FFFF;
	_ =	strace $0x9FFFFFFF  }
0xc4: {  	(tm) =	ssettm $0x7FFFFFFF  }
0xc5: {  	_ =	shalt  }
tec
execute0_lowered:
.L_overlay_start_1:
0x0: {  	(tag) =	ssettag $0x1  }
0x1: {  	s2 =	rddreg [dreg:$0x0]  }
0x2: {  	s7 =	rddreg [dreg:$0x1]  }
0x3: {  	s3 =	rddreg [dreg:$0x2]  }
0x4: {  	s0 =	rddreg [dreg:$0x3];
	s1 =	srdreg.scid;
	_ =	strace $0x80000047  }
0x5: {  	s4 =	simm.s32 $0x1;
	s9 =	simm.s32 $0x3;
	s5 =	sshll.u32 s1, $0x4  }
.Ltmp0:
0x6: {  	s1 =	stileid.u32;
	s5 =	sand.u32 $0x10, s5;
	(pc) =	sbr.rel .LBB2_1-.Ltmp0, $4  }
0x7: {  	s12 =	simm.s32 $0x0;
	s10 =	simm.s32 $0x0;
	s6 =	sor.u32 s1, s5  }
0x8: {  	[sflag:s4] =	ssyncpa.u1 $0x0;
	s5 =	simm.s32 $0x2;
	s6 =	sshll.u32 s6, $0x7  }
0x9: {  	s7 =	sadd.s32 $0x1400, s7;
	[sflag:s5] =	ssyncpa.u1 $0x0;
	s8 =	sadd.s32 $0x80, s6  }
0xa: {  	vm0 =	vmmov $0xff;
	vm1 =	vcmask $0x3F20;
	[sflag:s9] =	ssyncpa.u1 $0x0;
	s9 =	simm.s32 $0x80;
	s11 =	smov.u32 s6  }
.LBB2_10:
0xb: {  	[hbm:s16] =	stream.linear.scatter [tilespmem:s13], [sflag:$0x3], $0x800, $0x38;
	[tilespmem:$0x10100] =	vst v63  }
.LBB2_11:
0xc: {  	p0 =	seq.s32 s10, $0x2  }
.Ltmp1:
0xd: {  	_ = 	snop;
	(pc) =	sbr.rel @p0 .LBB2_13-.Ltmp1, $1  }
0xe: {  	_ =	sdelay $0x3  }
.LBB2_12:
0xf: {  	s12 =	sadd.s32 $0x80, s11  }
0x10: {  	s13 =	smov.u32 s6;
	p0 =	slt.s32 s12, s8  }
0x11: {  	s13 =	smov.u32 @p0 s12  }
0x12: {  	s10 =	sadd.s32 $0x1, s10;
	s12 =	smov.u32 s11;
	s11 =	smov.u32 s13  }
.LBB2_1:
0x13: {  	p0 =	sne.s32 s10, $0x0  }
.Ltmp2:
0x14: {  	_ = 	snop;
	(pc) =	sbr.rel @!p0 .LBB2_2-.Ltmp2, $1  }
0x15: {  	_ =	sdelay $0x3  }
0x16: {  	s13 =	sand.u32 $0x1, s10  }
0x17: {  	p0 =	seq.s32 s13, $0x0  }
.Ltmp3:
0x18: {  	_ = 	snop;
	(pc) =	sbr.rel @p0 .LBB2_11-.Ltmp3, $1  }
0x19: {  	_ =	sdelay $0x3  }
0x1a: {  	_ =	swait.ge [sflag:s5], $0x80  }
0x1b: {  	[sflag:s5] =	ssyncset.done $0x0  }
0x1c: {  	s13 =	simm.s32 $0x0;
	[sflag:s5] =	ssyncadd.s32 $0xFFFFFF80  }
.LBB2_5:
0x1d: {  	s14 =	sshll.u32 s13, $0x4  }
0x1e: {  	s14 =	sand.u32 $0x3FFFFFF0, s14  }
0x1f: {  	v0 =	vld.msk [tilespmem:s14+$0x80 ss:$0x1], $0xffff;
	_ =	sdelay $0x4  }
0x20: {  	vm2 =	vgt.s32 v0, $0x0  }
0x21: {  	v0 =	vnsel vm2, $0x0, v0  }
0x22: {  	v0 =	vmin.u32 v0, $0xFFF  }
0x23: {  	s31 =	sshll.u32 s13, $0xC;
	v1 =	vshll.u32 v0, $0x5;
	v0 =	vshll.u32 v0, $0x4  }
0x24: {  	s14 =	sand.u32 $0x3FFFF000, s31;
	v1 =	vand.u32 $0x1FF00, v1;
	v0 =	vand.u32 $0x70, v0  }
0x25: {  	p0 =	por $0x1, $0x1;
	s15 =	simm.s32 $0x0;
	s14 =	sadd.s32 $0x8100, s14;
	v0 =	vor.u32 v0, v1  }
.LBB2_6:
0x26: {  	_ =	sdelay $0x1  }
0x27: {  	s15 =	sshra.s32 s15, $0x2;
	p1 =	por p0, p0  }
.Ltmp4:
0x28: {  	s15 =	sadd.s32 s15, s14;
	(pc) =	sbr.rel @p1 .LBB2_6-.Ltmp4, $4  }
0x29: {  	[tilespmem:s15], [sflag:$0x1] =	stream.indirect_vreg.gather [hbm:s2], $0x80, v0, vm0, $0x38;
	[tilespmem:$0x10100] =	vst v63  }
0x2a: {  	s15 =	sadd.s32 $0x800, s15  }
0x2b: {  	[tilespmem:s15], [sflag:$0x1] =	stream.indirect_vreg.gather [hbm:s2], $0x80, v0, vm1, $0x38;
	[tilespmem:$0x10100] =	vst v63  }
0x2c: {  	p0 =	por $0x0, $0x0;
	v0 =	vadd.s32 $0x80, v0;
	s15 =	simm.s32 $0x1000  }
0x2d: {  	s13 =	sadd.s32 $0x1, s13  }
0x2e: {  	p0 =	sne.s32 s13, $0x8  }
.Ltmp5:
0x2f: {  	_ = 	snop;
	(pc) =	sbr.rel @p0 .LBB2_5-.Ltmp5, $1  }
0x30: {  	_ =	sdelay $0x3  }
0x31: {  	s13 =	sshll.u32 s12, $0x5  }
0x32: {  	_ =	swait.ge [sflag:s4], $0x8000;
	s31 =	sshll.u32 s12, $0x4;
	s13 =	sand.u32 $0xFFFFFF00, s13  }
0x33: {  	s14 =	simm.s32 $0x100;
	s12 =	sand.u32 $0x70, s31;
	s13 =	sadd.s32 s13, s3  }
0x34: {  	s15 =	simm.s32 $0x8900;
	[sflag:s4] =	ssyncset.done $0x0;
	s12 =	sadd.s32 s12, s13  }
0x35: {  	[sflag:s4] =	ssyncadd.s32 $0xFFFF8000;
	s13 =	simm.s32 $0x8100;
	s16 =	sadd.s32 $0x0, s12  }
.LBB2_9:
0x36: {  	[hbm:s16] =	stream.linear.scatter [tilespmem:s13], [sflag:$0x3], $0x800, $0x38;
	[tilespmem:$0x10100] =	vst v63  }
0x37: {  	s16 =	smov.u32 s14;
	s13 =	smov.u32 s15;
	p0 =	sne.s32 s14, $0xF00  }
.Ltmp6:
0x38: {  	s14 =	sadd.s32 $0x100, s14;
	(pc) =	sbr.rel @p0 .LBB2_9-.Ltmp6, $2  }
0x39: {  	_ =	sdelay $0x2  }
0x3a: {  	s15 =	sadd.s32 $0x800, s15;
	s16 =	sadd.s32 s16, s12  }
.Ltmp7:
0x3b: {  	_ = 	snop;
	(pc) =	sbr.rel .LBB2_10-.Ltmp7, $1  }
0x3c: {  	_ =	sdelay $0x3  }
.LBB2_2:
.Ltmp8:
0x3d: {  	(pc) =	sbr.rel .LBB2_12-.Ltmp8, $4  }
0x3e: {  	_ = 	snop  }
0x3f: {  	s12 =	sshrl.u32 s11, $0x3  }
0x40: {  	s13 =	sand.u32 $0x7, s11;
	s12 =	sadd.s32 s7, s12  }
0x41: {  	[tilespmem:s9], [sflag:$0x2] =	stream.linear.gather [hbm4b:s12+s13], $0x80, $0x38;
	[tilespmem:$0x10100] =	vst v63  }
.LBB2_13:
0x42: {  	s2 =	simm.s32 $0x3  }
0x43: {  	_ =	swait.ge [sflag:s2], $0x8000  }
0x44: {  	[sflag:s2] =	ssyncset.done $0x0  }
0x45: {  	[sflag:s2] =	ssyncadd.s32 $0xFFFF8000  }
0x46: {  	_ =	sfence.sel $0x180000  }
0x47: {  	s3 =	simm.s32 $0x2;
	[bflag:$0x0] =	sbarrier.arrive $0xFFFF  }
0x48: {  	[sflag:s3] =	ssyncpa.u1 $0x1  }
0x49: {  	s31 =	simm.s32 $0x1;
	[sflag:s2] =	ssyncpa.u1 $0x1  }
0x4a: {  	[sflag:s31] =	ssyncpa.u1 $0x1  }
0x4b: {  	p0 =	sne.s32 s1, $0x0;
	_ =	strace $0x90000047  }
0x4c: {  	s0 =	sadd.s32 @!p0 $0x100000, s0;
	[bflag:$0x2] =	sbarrier.arrive $0xFFFF  }
0x4d: {  	[sflag:s0] =	ssyncadd.tile.s32 @!p0 $0x1;
	_ =	shalt  }
.Lfunc_end2:
_tile_overlayer_lowered:
.L_overlay_start_2:
0x4e: {  	(tag) =	ssettag $0x2  }
0x4f: {  	s0 =	rddreg [dreg:$0x0];
	s2 =	stileid.u32  }
0x50: {  	s1 =	rddreg [dreg:$0x1];
	p0 =	sne.s32 s2, $0x0  }
0x51: {  	s3 =	rddreg [dreg:$0x2];
	[bflag:$0x3] =	sbarrier.arrive $0xFFFF;
	s2 =	simm.s32 @!p0 $0x1C01  }
0x52: {  	[timem:s3], [sflag:s2] =	dma.local @!p0 [hbm:s0], s1  }
0x53: {  	s0 =	simm.s32 @!p0 $0x1  }
0x54: {  	_ =	swait.ge @!p0 [sflag:s0], s1  }
0x55: {  	s1 =	ssub.s32 @!p0 $0x0, s1;
	[sflag:s0] =	ssyncset.done @!p0 $0x0  }
0x56: {  	[sflag:s0] =	ssyncadd.s32 @!p0 s1  }
0x57: {  	[bflag:$0x3] =	sbarrier.arrive $0xFFFF  }
0x58: {  	_ =	shalt  }

</sc_bundles>
